<compile_context>
chip_gen: v7x
topology: tpu7x:2x2x1
jax: 0.10.2.dev20260603
libtpu: 0.0.44.dev20260713+nightly
codegen_flags: <defaults>
</compile_context>

<pallas_src>
import functools

import jax
import jax.numpy as jnp
from jax import lax
from jax.experimental import pallas as pl
from jax.experimental.pallas import tpu as pltpu
from jax.experimental.pallas import tpu_sc as plsc

N = 2097152
NC = 2
NS = 16
NW = NC * NS
LANES = 16
CHUNK = N // NW
SUB = 16384
PIECES = CHUNK // SUB
PAIRS = PIECES // 2
K = 8
STEPS = SUB // (LANES * K)


def _make_partial_sums():
    mesh = plsc.VectorSubcoreMesh(core_axis_name="c", subcore_axis_name="s")

    @functools.partial(
        pl.kernel,
        mesh=mesh,
        out_type=jax.ShapeDtypeStruct((NW, LANES), jnp.float32),
        scratch_types=[
            pltpu.VMEM((SUB,), jnp.float32),
            pltpu.VMEM((SUB,), jnp.float32),
            pltpu.VMEM((LANES,), jnp.float32),
            pltpu.SemaphoreType.DMA,
            pltpu.SemaphoreType.DMA,
        ],
    )
    def partial_sums(in_hbm, out_hbm, buf0, buf1, acc_buf, sem0, sem1):
        wid = lax.axis_index("s") * NC + lax.axis_index("c")
        base = wid * CHUNK

        pltpu.async_copy(in_hbm.at[pl.ds(base, SUB)], buf0, sem0)
        pltpu.async_copy(in_hbm.at[pl.ds(base + SUB, SUB)], buf1, sem1)

        def compute(buf, accs):
            def step(i, accs):
                off = i * (LANES * K)
                return tuple(
                    a + 1.0 / (1.0 + jnp.exp(-buf[pl.ds(off + j * LANES, LANES)]))
                    for j, a in enumerate(accs))
            return lax.fori_loop(0, STEPS, step, accs)

        def trip(q, accs):
            pltpu.make_async_copy(
                in_hbm.at[pl.ds(base, SUB)], buf0, sem0).wait()
            accs = compute(buf0, accs)

            @pl.when(q < PAIRS - 1)
            def _():
                off = base + (2 * q + 2) * SUB
                pltpu.async_copy(in_hbm.at[pl.ds(off, SUB)], buf0, sem0)

            pltpu.make_async_copy(
                in_hbm.at[pl.ds(base, SUB)], buf1, sem1).wait()
            accs = compute(buf1, accs)

            @pl.when(q < PAIRS - 1)
            def _():
                off = base + (2 * q + 3) * SUB
                pltpu.async_copy(in_hbm.at[pl.ds(off, SUB)], buf1, sem1)

            return accs

        accs = (jnp.zeros((LANES,), jnp.float32),) * K
        accs = lax.fori_loop(0, PAIRS, trip, accs)

        while len(accs) > 1:
            accs = tuple(accs[i] + accs[i + 1] for i in range(0, len(accs), 2))
        acc_buf[...] = accs[0]
        pltpu.sync_copy(acc_buf, out_hbm.at[wid])

    return partial_sums


_partial_sums = _make_partial_sums()


@jax.jit
def kernel(input, edges, clicked):
    partials = _partial_sums(input)
    s = jnp.sum(partials)
    return 1.0 - 1.0 / (s + 1.0)

# --- scband reference (transcript-rebuilt; emitter-appended) ---
"""Pipeline reference for scband-cluster-dice-loss-51685636440474 (READ-ONLY COPY).

The authoritative reference and input builder live on the scoring server;
editing this copy changes nothing except your own understanding.
"""

import jax, jax.numpy as jnp
import numpy as np

SMOOTH = 1.0
SQUARE = False


def soft_dice(x, y, smooth=SMOOTH, square=SQUARE):
    # standard nnUNet-style soft dice over spatial axes, averaged over batch/channel
    axes = tuple(range(2, x.ndim))
    intersect = jnp.sum(x * y, axis=axes)
    if square:
        denom = jnp.sum(x * x, axis=axes) + jnp.sum(y * y, axis=axes)
    else:
        denom = jnp.sum(x, axis=axes) + jnp.sum(y, axis=axes)
    dc = (2.0 * intersect + smooth) / (denom + smooth)
    return 1.0 - jnp.mean(dc)


def setup_inputs(seed: int = 0) -> dict:
    key = jax.random.key(seed)
    k1, k2 = jax.random.split(key)
    N = 2097152
    inp = jax.random.normal(k1, (N,), dtype=jnp.float32)
    edges = jax.random.randint(k2, (3, N), 0, N, dtype=jnp.int32)
    clicked = jnp.zeros((0,), dtype=jnp.int32)  # empty 'clicked' list -> zero-target branch
    return {"input": inp, "edges": edges, "clicked": clicked}


def reference(input, edges, clicked):
    # get_pos_negs with empty keypoints: tgt = zeros(input.numel()), input unchanged.
    # (The non-empty path with the default mode='all' is unreachable: it raises
    #  UnboundLocalError on neg_nodes in the original torch code.)
    tgt = jnp.zeros((input.size,), dtype=jnp.float32)
    x = jax.nn.sigmoid(input)[None, None, :, None]
    y = tgt[None, None, :, None]
    return soft_dice(x, y)

if __name__ == "__main__":
    import jax
    _d = setup_inputs()
    print(jax.jit(kernel)(*tuple(_d.values())))

</pallas_src>

<mosaic_0001>
#map = affine_map<(d0, d1) -> (0)>
#map1 = affine_map<(d0, d1) -> (0, 0)>
module attributes {stable_mosaic.version = 14 : i64} {
  func.func @partial_sums(%arg0: i32, %arg1: i32, %arg2: memref<2097152xf32, #tpu.memory_space<hbm>>, %arg3: memref<32x16xf32, #tpu.memory_space<hbm>>, %arg4: memref<16384xf32, #tpu.memory_space<vmem>>, %arg5: memref<16384xf32, #tpu.memory_space<vmem>>, %arg6: memref<16xf32, #tpu.memory_space<vmem>>, %arg7: memref<!tpu.dma_semaphore, #tpu.memory_space<semaphore_mem>>, %arg8: memref<!tpu.dma_semaphore, #tpu.memory_space<semaphore_mem>>) attributes {dimension_semantics = [#tpu.dimension_semantics<core_parallel>, #tpu.dimension_semantics<subcore_parallel>], iteration_bounds = array<i64: 2, 16>, scalar_prefetch = 0 : i64, scratch_operands = 5 : i64, tpu.core_type = #tpu.core_type<sc_vector_subcore>, window_params = [{transform_indices = #map}, {transform_indices = #map1}]} {
    %mul3A = arith.constant 2 : i32
    %mul3A_0 = arith.muli %arg1, %mul3A : i32
    %add3A = arith.addi %mul3A_0, %arg0 : i32
    %mul3A_1 = arith.constant 65536 : i32
    %mul3A_2 = arith.muli %add3A, %mul3A_1 : i32
    %dma_start3A = tpu.memref_slice %arg2[%mul3A_2] : memref<2097152xf32, #tpu.memory_space<hbm>> -> memref<16384xf32, #tpu.memory_space<hbm>>
    %dma_start3A_3 = tpu.memref_slice %arg2[%mul3A_2] : memref<2097152xf32, #tpu.memory_space<hbm>> -> memref<16384xf32, #tpu.memory_space<hbm>>
    tpu.enqueue_dma source(%dma_start3A_3 : memref<16384xf32, #tpu.memory_space<hbm>>) target(%arg4 : memref<16384xf32, #tpu.memory_space<vmem>>) target_semaphore(%arg7 : memref<!tpu.dma_semaphore, #tpu.memory_space<semaphore_mem>>)
    %add3A_4 = arith.constant 16384 : i32
    %add3A_5 = arith.addi %mul3A_2, %add3A_4 : i32
    %dma_start3A_6 = tpu.memref_slice %arg2[%add3A_5] : memref<2097152xf32, #tpu.memory_space<hbm>> -> memref<16384xf32, #tpu.memory_space<hbm>>
    %dma_start3A_7 = tpu.memref_slice %arg2[%add3A_5] : memref<2097152xf32, #tpu.memory_space<hbm>> -> memref<16384xf32, #tpu.memory_space<hbm>>
    tpu.enqueue_dma source(%dma_start3A_7 : memref<16384xf32, #tpu.memory_space<hbm>>) target(%arg5 : memref<16384xf32, #tpu.memory_space<vmem>>) target_semaphore(%arg8 : memref<!tpu.dma_semaphore, #tpu.memory_space<semaphore_mem>>)
    %broadcast_in_dim3A = arith.constant 0.000000e+00 : f32
    %broadcast_in_dim3A_8 = vector.broadcast %broadcast_in_dim3A : f32 to vector<16xf32>
    %scan3A = arith.constant 0 : i32
    %scan3A_9 = arith.constant 2 : i32
    %scan3A_10 = arith.addi %scan3A, %scan3A_9 : i32
    %scan3A_11 = arith.constant 1 : i32
    %scan3A_12:8 = scf.for %scan3A_24 = %scan3A to %scan3A_10 step %scan3A_11 iter_args(%scan3A_25 = %broadcast_in_dim3A_8, %scan3A_26 = %broadcast_in_dim3A_8, %scan3A_27 = %broadcast_in_dim3A_8, %scan3A_28 = %broadcast_in_dim3A_8, %scan3A_29 = %broadcast_in_dim3A_8, %scan3A_30 = %broadcast_in_dim3A_8, %scan3A_31 = %broadcast_in_dim3A_8, %scan3A_32 = %broadcast_in_dim3A_8) -> (vector<16xf32>, vector<16xf32>, vector<16xf32>, vector<16xf32>, vector<16xf32>, vector<16xf32>, vector<16xf32>, vector<16xf32>)  : i32 {
      %dma_wait3A = tpu.memref_slice %arg2[%mul3A_2] : memref<2097152xf32, #tpu.memory_space<hbm>> -> memref<16384xf32, #tpu.memory_space<hbm>>
      %dma_wait3A_33 = tpu.memref_slice %arg2[%mul3A_2] : memref<2097152xf32, #tpu.memory_space<hbm>> -> memref<16384xf32, #tpu.memory_space<hbm>>
      tpu.wait_dma2 semaphore(%arg7 : memref<!tpu.dma_semaphore, #tpu.memory_space<semaphore_mem>>) src(%dma_wait3A_33 : memref<16384xf32, #tpu.memory_space<hbm>>) dst(%arg4 : memref<16384xf32, #tpu.memory_space<vmem>>)
      %scan3A_34 = arith.constant 0 : i32
      %scan3A_35 = arith.constant 128 : i32
      %scan3A_36 = arith.addi %scan3A_34, %scan3A_35 : i32
      %scan3A_37 = arith.constant 1 : i32
      %scan3A_38:8 = scf.for %scan3A_55 = %scan3A_34 to %scan3A_36 step %scan3A_37 iter_args(%scan3A_56 = %scan3A_25, %scan3A_57 = %scan3A_26, %scan3A_58 = %scan3A_27, %scan3A_59 = %scan3A_28, %scan3A_60 = %scan3A_29, %scan3A_61 = %scan3A_30, %scan3A_62 = %scan3A_31, %scan3A_63 = %scan3A_32) -> (vector<16xf32>, vector<16xf32>, vector<16xf32>, vector<16xf32>, vector<16xf32>, vector<16xf32>, vector<16xf32>, vector<16xf32>)  : i32 {
        %mul3A_64 = arith.constant 128 : i32
        %mul3A_65 = arith.muli %scan3A_55, %mul3A_64 : i32
        %add3A_66 = arith.constant 0 : i32
        %add3A_67 = arith.addi %mul3A_65, %add3A_66 : i32
        %get3A = arith.index_cast %add3A_67 : i32 to index
        %get3A_68 = tpu.vector_load %arg4[%get3A] {strides = array<i32>} : memref<16384xf32, #tpu.memory_space<vmem>>, vector<16xf32>,
        %get3A_69 = vector.shape_cast %get3A_68 : vector<16xf32> to vector<16xf32>
        %neg3A = arith.constant 0.000000e+00 : f32
        %neg3A_70 = vector.broadcast %neg3A : f32 to vector<16xf32>
        %neg3A_71 = arith.subf %neg3A_70, %get3A_69 : vector<16xf32>
        %exp3A = math.exp %neg3A_71 : vector<16xf32>
        %add3A_72 = arith.constant 1.000000e+00 : f32
        %add3A_73 = vector.broadcast %add3A_72 : f32 to vector<16xf32>
        %add3A_74 = arith.addf %add3A_73, %exp3A : vector<16xf32>
        %div3A = arith.constant 1.000000e+00 : f32
        %div3A_75 = vector.broadcast %div3A : f32 to vector<16xf32>
        %div3A_76 = arith.divf %div3A_75, %add3A_74 : vector<16xf32>
        %add3A_77 = arith.addf %scan3A_56, %div3A_76 : vector<16xf32>
        %add3A_78 = arith.constant 16 : i32
        %add3A_79 = arith.addi %mul3A_65, %add3A_78 : i32
        %get3A_80 = arith.index_cast %add3A_79 : i32 to index
        %get3A_81 = tpu.vector_load %arg4[%get3A_80] {strides = array<i32>} : memref<16384xf32, #tpu.memory_space<vmem>>, vector<16xf32>,
        %get3A_82 = vector.shape_cast %get3A_81 : vector<16xf32> to vector<16xf32>
        %neg3A_83 = arith.constant 0.000000e+00 : f32
        %neg3A_84 = vector.broadcast %neg3A_83 : f32 to vector<16xf32>
        %neg3A_85 = arith.subf %neg3A_84, %get3A_82 : vector<16xf32>
        %exp3A_86 = math.exp %neg3A_85 : vector<16xf32>
        %add3A_87 = arith.constant 1.000000e+00 : f32
        %add3A_88 = vector.broadcast %add3A_87 : f32 to vector<16xf32>
        %add3A_89 = arith.addf %add3A_88, %exp3A_86 : vector<16xf32>
        %div3A_90 = arith.constant 1.000000e+00 : f32
        %div3A_91 = vector.broadcast %div3A_90 : f32 to vector<16xf32>
        %div3A_92 = arith.divf %div3A_91, %add3A_89 : vector<16xf32>
        %add3A_93 = arith.addf %scan3A_57, %div3A_92 : vector<16xf32>
        %add3A_94 = arith.constant 32 : i32
        %add3A_95 = arith.addi %mul3A_65, %add3A_94 : i32
        %get3A_96 = arith.index_cast %add3A_95 : i32 to index
        %get3A_97 = tpu.vector_load %arg4[%get3A_96] {strides = array<i32>} : memref<16384xf32, #tpu.memory_space<vmem>>, vector<16xf32>,
        %get3A_98 = vector.shape_cast %get3A_97 : vector<16xf32> to vector<16xf32>
        %neg3A_99 = arith.constant 0.000000e+00 : f32
        %neg3A_100 = vector.broadcast %neg3A_99 : f32 to vector<16xf32>
        %neg3A_101 = arith.subf %neg3A_100, %get3A_98 : vector<16xf32>
        %exp3A_102 = math.exp %neg3A_101 : vector<16xf32>
        %add3A_103 = arith.constant 1.000000e+00 : f32
        %add3A_104 = vector.broadcast %add3A_103 : f32 to vector<16xf32>
        %add3A_105 = arith.addf %add3A_104, %exp3A_102 : vector<16xf32>
        %div3A_106 = arith.constant 1.000000e+00 : f32
        %div3A_107 = vector.broadcast %div3A_106 : f32 to vector<16xf32>
        %div3A_108 = arith.divf %div3A_107, %add3A_105 : vector<16xf32>
        %add3A_109 = arith.addf %scan3A_58, %div3A_108 : vector<16xf32>
        %add3A_110 = arith.constant 48 : i32
        %add3A_111 = arith.addi %mul3A_65, %add3A_110 : i32
        %get3A_112 = arith.index_cast %add3A_111 : i32 to index
        %get3A_113 = tpu.vector_load %arg4[%get3A_112] {strides = array<i32>} : memref<16384xf32, #tpu.memory_space<vmem>>, vector<16xf32>,
        %get3A_114 = vector.shape_cast %get3A_113 : vector<16xf32> to vector<16xf32>
        %neg3A_115 = arith.constant 0.000000e+00 : f32
        %neg3A_116 = vector.broadcast %neg3A_115 : f32 to vector<16xf32>
        %neg3A_117 = arith.subf %neg3A_116, %get3A_114 : vector<16xf32>
        %exp3A_118 = math.exp %neg3A_117 : vector<16xf32>
        %add3A_119 = arith.constant 1.000000e+00 : f32
        %add3A_120 = vector.broadcast %add3A_119 : f32 to vector<16xf32>
        %add3A_121 = arith.addf %add3A_120, %exp3A_118 : vector<16xf32>
        %div3A_122 = arith.constant 1.000000e+00 : f32
        %div3A_123 = vector.broadcast %div3A_122 : f32 to vector<16xf32>
        %div3A_124 = arith.divf %div3A_123, %add3A_121 : vector<16xf32>
        %add3A_125 = arith.addf %scan3A_59, %div3A_124 : vector<16xf32>
        %add3A_126 = arith.constant 64 : i32
        %add3A_127 = arith.addi %mul3A_65, %add3A_126 : i32
        %get3A_128 = arith.index_cast %add3A_127 : i32 to index
        %get3A_129 = tpu.vector_load %arg4[%get3A_128] {strides = array<i32>} : memref<16384xf32, #tpu.memory_space<vmem>>, vector<16xf32>,
        %get3A_130 = vector.shape_cast %get3A_129 : vector<16xf32> to vector<16xf32>
        %neg3A_131 = arith.constant 0.000000e+00 : f32
        %neg3A_132 = vector.broadcast %neg3A_131 : f32 to vector<16xf32>
        %neg3A_133 = arith.subf %neg3A_132, %get3A_130 : vector<16xf32>
        %exp3A_134 = math.exp %neg3A_133 : vector<16xf32>
        %add3A_135 = arith.constant 1.000000e+00 : f32
        %add3A_136 = vector.broadcast %add3A_135 : f32 to vector<16xf32>
        %add3A_137 = arith.addf %add3A_136, %exp3A_134 : vector<16xf32>
        %div3A_138 = arith.constant 1.000000e+00 : f32
        %div3A_139 = vector.broadcast %div3A_138 : f32 to vector<16xf32>
        %div3A_140 = arith.divf %div3A_139, %add3A_137 : vector<16xf32>
        %add3A_141 = arith.addf %scan3A_60, %div3A_140 : vector<16xf32>
        %add3A_142 = arith.constant 80 : i32
        %add3A_143 = arith.addi %mul3A_65, %add3A_142 : i32
        %get3A_144 = arith.index_cast %add3A_143 : i32 to index
        %get3A_145 = tpu.vector_load %arg4[%get3A_144] {strides = array<i32>} : memref<16384xf32, #tpu.memory_space<vmem>>, vector<16xf32>,
        %get3A_146 = vector.shape_cast %get3A_145 : vector<16xf32> to vector<16xf32>
        %neg3A_147 = arith.constant 0.000000e+00 : f32
        %neg3A_148 = vector.broadcast %neg3A_147 : f32 to vector<16xf32>
        %neg3A_149 = arith.subf %neg3A_148, %get3A_146 : vector<16xf32>
        %exp3A_150 = math.exp %neg3A_149 : vector<16xf32>
        %add3A_151 = arith.constant 1.000000e+00 : f32
        %add3A_152 = vector.broadcast %add3A_151 : f32 to vector<16xf32>
        %add3A_153 = arith.addf %add3A_152, %exp3A_150 : vector<16xf32>
        %div3A_154 = arith.constant 1.000000e+00 : f32
        %div3A_155 = vector.broadcast %div3A_154 : f32 to vector<16xf32>
        %div3A_156 = arith.divf %div3A_155, %add3A_153 : vector<16xf32>
        %add3A_157 = arith.addf %scan3A_61, %div3A_156 : vector<16xf32>
        %add3A_158 = arith.constant 96 : i32
        %add3A_159 = arith.addi %mul3A_65, %add3A_158 : i32
        %get3A_160 = arith.index_cast %add3A_159 : i32 to index
        %get3A_161 = tpu.vector_load %arg4[%get3A_160] {strides = array<i32>} : memref<16384xf32, #tpu.memory_space<vmem>>, vector<16xf32>,
        %get3A_162 = vector.shape_cast %get3A_161 : vector<16xf32> to vector<16xf32>
        %neg3A_163 = arith.constant 0.000000e+00 : f32
        %neg3A_164 = vector.broadcast %neg3A_163 : f32 to vector<16xf32>
        %neg3A_165 = arith.subf %neg3A_164, %get3A_162 : vector<16xf32>
        %exp3A_166 = math.exp %neg3A_165 : vector<16xf32>
        %add3A_167 = arith.constant 1.000000e+00 : f32
        %add3A_168 = vector.broadcast %add3A_167 : f32 to vector<16xf32>
        %add3A_169 = arith.addf %add3A_168, %exp3A_166 : vector<16xf32>
        %div3A_170 = arith.constant 1.000000e+00 : f32
        %div3A_171 = vector.broadcast %div3A_170 : f32 to vector<16xf32>
        %div3A_172 = arith.divf %div3A_171, %add3A_169 : vector<16xf32>
        %add3A_173 = arith.addf %scan3A_62, %div3A_172 : vector<16xf32>
        %add3A_174 = arith.constant 112 : i32
        %add3A_175 = arith.addi %mul3A_65, %add3A_174 : i32
        %get3A_176 = arith.index_cast %add3A_175 : i32 to index
        %get3A_177 = tpu.vector_load %arg4[%get3A_176] {strides = array<i32>} : memref<16384xf32, #tpu.memory_space<vmem>>, vector<16xf32>,
        %get3A_178 = vector.shape_cast %get3A_177 : vector<16xf32> to vector<16xf32>
        %neg3A_179 = arith.constant 0.000000e+00 : f32
        %neg3A_180 = vector.broadcast %neg3A_179 : f32 to vector<16xf32>
        %neg3A_181 = arith.subf %neg3A_180, %get3A_178 : vector<16xf32>
        %exp3A_182 = math.exp %neg3A_181 : vector<16xf32>
        %add3A_183 = arith.constant 1.000000e+00 : f32
        %add3A_184 = vector.broadcast %add3A_183 : f32 to vector<16xf32>
        %add3A_185 = arith.addf %add3A_184, %exp3A_182 : vector<16xf32>
        %div3A_186 = arith.constant 1.000000e+00 : f32
        %div3A_187 = vector.broadcast %div3A_186 : f32 to vector<16xf32>
        %div3A_188 = arith.divf %div3A_187, %add3A_185 : vector<16xf32>
        %add3A_189 = arith.addf %scan3A_63, %div3A_188 : vector<16xf32>
        scf.yield %add3A_77, %add3A_93, %add3A_109, %add3A_125, %add3A_141, %add3A_157, %add3A_173, %add3A_189 : vector<16xf32>, vector<16xf32>, vector<16xf32>, vector<16xf32>, vector<16xf32>, vector<16xf32>, vector<16xf32>, vector<16xf32>
      }
      %scan3A_39 = arith.constant 128 : i32
      %lt3A = arith.constant 1 : i32
      %lt3A_40 = arith.cmpi slt, %scan3A_24, %lt3A : i32
      %convert_element_type3A = arith.extui %lt3A_40 : i1 to i32
      %cond3A = arith.constant 0 : i32
      %cond3A_41 = arith.cmpi ne, %convert_element_type3A, %cond3A : i32
      scf.if %cond3A_41 {
        %mul3A_55 = arith.constant 2 : i32
        %mul3A_56 = arith.muli %mul3A_55, %scan3A_24 : i32
        %add3A_57 = arith.constant 2 : i32
        %add3A_58 = arith.addi %mul3A_56, %add3A_57 : i32
        %mul3A_59 = arith.constant 16384 : i32
        %mul3A_60 = arith.muli %add3A_58, %mul3A_59 : i32
        %add3A_61 = arith.addi %mul3A_2, %mul3A_60 : i32
        %dma_start3A_62 = tpu.memref_slice %arg2[%add3A_61] : memref<2097152xf32, #tpu.memory_space<hbm>> -> memref<16384xf32, #tpu.memory_space<hbm>>
        %dma_start3A_63 = tpu.memref_slice %arg2[%add3A_61] : memref<2097152xf32, #tpu.memory_space<hbm>> -> memref<16384xf32, #tpu.memory_space<hbm>>
        tpu.enqueue_dma source(%dma_start3A_63 : memref<16384xf32, #tpu.memory_space<hbm>>) target(%arg4 : memref<16384xf32, #tpu.memory_space<vmem>>) target_semaphore(%arg7 : memref<!tpu.dma_semaphore, #tpu.memory_space<semaphore_mem>>)
      } else {
      }
      %dma_wait3A_42 = tpu.memref_slice %arg2[%mul3A_2] : memref<2097152xf32, #tpu.memory_space<hbm>> -> memref<16384xf32, #tpu.memory_space<hbm>>
      %dma_wait3A_43 = tpu.memref_slice %arg2[%mul3A_2] : memref<2097152xf32, #tpu.memory_space<hbm>> -> memref<16384xf32, #tpu.memory_space<hbm>>
      tpu.wait_dma2 semaphore(%arg8 : memref<!tpu.dma_semaphore, #tpu.memory_space<semaphore_mem>>) src(%dma_wait3A_43 : memref<16384xf32, #tpu.memory_space<hbm>>) dst(%arg5 : memref<16384xf32, #tpu.memory_space<vmem>>)
      %scan3A_44 = arith.constant 0 : i32
      %scan3A_45 = arith.constant 128 : i32
      %scan3A_46 = arith.addi %scan3A_44, %scan3A_45 : i32
      %scan3A_47 = arith.constant 1 : i32
      %scan3A_48:8 = scf.for %scan3A_55 = %scan3A_44 to %scan3A_46 step %scan3A_47 iter_args(%scan3A_56 = %scan3A_38#0, %scan3A_57 = %scan3A_38#1, %scan3A_58 = %scan3A_38#2, %scan3A_59 = %scan3A_38#3, %scan3A_60 = %scan3A_38#4, %scan3A_61 = %scan3A_38#5, %scan3A_62 = %scan3A_38#6, %scan3A_63 = %scan3A_38#7) -> (vector<16xf32>, vector<16xf32>, vector<16xf32>, vector<16xf32>, vector<16xf32>, vector<16xf32>, vector<16xf32>, vector<16xf32>)  : i32 {
        %mul3A_64 = arith.constant 128 : i32
        %mul3A_65 = arith.muli %scan3A_55, %mul3A_64 : i32
        %add3A_66 = arith.constant 0 : i32
        %add3A_67 = arith.addi %mul3A_65, %add3A_66 : i32
        %get3A = arith.index_cast %add3A_67 : i32 to index
        %get3A_68 = tpu.vector_load %arg5[%get3A] {strides = array<i32>} : memref<16384xf32, #tpu.memory_space<vmem>>, vector<16xf32>,
        %get3A_69 = vector.shape_cast %get3A_68 : vector<16xf32> to vector<16xf32>
        %neg3A = arith.constant 0.000000e+00 : f32
        %neg3A_70 = vector.broadcast %neg3A : f32 to vector<16xf32>
        %neg3A_71 = arith.subf %neg3A_70, %get3A_69 : vector<16xf32>
        %exp3A = math.exp %neg3A_71 : vector<16xf32>
        %add3A_72 = arith.constant 1.000000e+00 : f32
        %add3A_73 = vector.broadcast %add3A_72 : f32 to vector<16xf32>
        %add3A_74 = arith.addf %add3A_73, %exp3A : vector<16xf32>
        %div3A = arith.constant 1.000000e+00 : f32
        %div3A_75 = vector.broadcast %div3A : f32 to vector<16xf32>
        %div3A_76 = arith.divf %div3A_75, %add3A_74 : vector<16xf32>
        %add3A_77 = arith.addf %scan3A_56, %div3A_76 : vector<16xf32>
        %add3A_78 = arith.constant 16 : i32
        %add3A_79 = arith.addi %mul3A_65, %add3A_78 : i32
        %get3A_80 = arith.index_cast %add3A_79 : i32 to index
        %get3A_81 = tpu.vector_load %arg5[%get3A_80] {strides = array<i32>} : memref<16384xf32, #tpu.memory_space<vmem>>, vector<16xf32>,
        %get3A_82 = vector.shape_cast %get3A_81 : vector<16xf32> to vector<16xf32>
        %neg3A_83 = arith.constant 0.000000e+00 : f32
        %neg3A_84 = vector.broadcast %neg3A_83 : f32 to vector<16xf32>
        %neg3A_85 = arith.subf %neg3A_84, %get3A_82 : vector<16xf32>
        %exp3A_86 = math.exp %neg3A_85 : vector<16xf32>
        %add3A_87 = arith.constant 1.000000e+00 : f32
        %add3A_88 = vector.broadcast %add3A_87 : f32 to vector<16xf32>
        %add3A_89 = arith.addf %add3A_88, %exp3A_86 : vector<16xf32>
        %div3A_90 = arith.constant 1.000000e+00 : f32
        %div3A_91 = vector.broadcast %div3A_90 : f32 to vector<16xf32>
        %div3A_92 = arith.divf %div3A_91, %add3A_89 : vector<16xf32>
        %add3A_93 = arith.addf %scan3A_57, %div3A_92 : vector<16xf32>
        %add3A_94 = arith.constant 32 : i32
        %add3A_95 = arith.addi %mul3A_65, %add3A_94 : i32
        %get3A_96 = arith.index_cast %add3A_95 : i32 to index
        %get3A_97 = tpu.vector_load %arg5[%get3A_96] {strides = array<i32>} : memref<16384xf32, #tpu.memory_space<vmem>>, vector<16xf32>,
        %get3A_98 = vector.shape_cast %get3A_97 : vector<16xf32> to vector<16xf32>
        %neg3A_99 = arith.constant 0.000000e+00 : f32
        %neg3A_100 = vector.broadcast %neg3A_99 : f32 to vector<16xf32>
        %neg3A_101 = arith.subf %neg3A_100, %get3A_98 : vector<16xf32>
        %exp3A_102 = math.exp %neg3A_101 : vector<16xf32>
        %add3A_103 = arith.constant 1.000000e+00 : f32
        %add3A_104 = vector.broadcast %add3A_103 : f32 to vector<16xf32>
        %add3A_105 = arith.addf %add3A_104, %exp3A_102 : vector<16xf32>
        %div3A_106 = arith.constant 1.000000e+00 : f32
        %div3A_107 = vector.broadcast %div3A_106 : f32 to vector<16xf32>
        %div3A_108 = arith.divf %div3A_107, %add3A_105 : vector<16xf32>
        %add3A_109 = arith.addf %scan3A_58, %div3A_108 : vector<16xf32>
        %add3A_110 = arith.constant 48 : i32
        %add3A_111 = arith.addi %mul3A_65, %add3A_110 : i32
        %get3A_112 = arith.index_cast %add3A_111 : i32 to index
        %get3A_113 = tpu.vector_load %arg5[%get3A_112] {strides = array<i32>} : memref<16384xf32, #tpu.memory_space<vmem>>, vector<16xf32>,
        %get3A_114 = vector.shape_cast %get3A_113 : vector<16xf32> to vector<16xf32>
        %neg3A_115 = arith.constant 0.000000e+00 : f32
        %neg3A_116 = vector.broadcast %neg3A_115 : f32 to vector<16xf32>
        %neg3A_117 = arith.subf %neg3A_116, %get3A_114 : vector<16xf32>
        %exp3A_118 = math.exp %neg3A_117 : vector<16xf32>
        %add3A_119 = arith.constant 1.000000e+00 : f32
        %add3A_120 = vector.broadcast %add3A_119 : f32 to vector<16xf32>
        %add3A_121 = arith.addf %add3A_120, %exp3A_118 : vector<16xf32>
        %div3A_122 = arith.constant 1.000000e+00 : f32
        %div3A_123 = vector.broadcast %div3A_122 : f32 to vector<16xf32>
        %div3A_124 = arith.divf %div3A_123, %add3A_121 : vector<16xf32>
        %add3A_125 = arith.addf %scan3A_59, %div3A_124 : vector<16xf32>
        %add3A_126 = arith.constant 64 : i32
        %add3A_127 = arith.addi %mul3A_65, %add3A_126 : i32
        %get3A_128 = arith.index_cast %add3A_127 : i32 to index
        %get3A_129 = tpu.vector_load %arg5[%get3A_128] {strides = array<i32>} : memref<16384xf32, #tpu.memory_space<vmem>>, vector<16xf32>,
        %get3A_130 = vector.shape_cast %get3A_129 : vector<16xf32> to vector<16xf32>
        %neg3A_131 = arith.constant 0.000000e+00 : f32
        %neg3A_132 = vector.broadcast %neg3A_131 : f32 to vector<16xf32>
        %neg3A_133 = arith.subf %neg3A_132, %get3A_130 : vector<16xf32>
        %exp3A_134 = math.exp %neg3A_133 : vector<16xf32>
        %add3A_135 = arith.constant 1.000000e+00 : f32
        %add3A_136 = vector.broadcast %add3A_135 : f32 to vector<16xf32>
        %add3A_137 = arith.addf %add3A_136, %exp3A_134 : vector<16xf32>
        %div3A_138 = arith.constant 1.000000e+00 : f32
        %div3A_139 = vector.broadcast %div3A_138 : f32 to vector<16xf32>
        %div3A_140 = arith.divf %div3A_139, %add3A_137 : vector<16xf32>
        %add3A_141 = arith.addf %scan3A_60, %div3A_140 : vector<16xf32>
        %add3A_142 = arith.constant 80 : i32
        %add3A_143 = arith.addi %mul3A_65, %add3A_142 : i32
        %get3A_144 = arith.index_cast %add3A_143 : i32 to index
        %get3A_145 = tpu.vector_load %arg5[%get3A_144] {strides = array<i32>} : memref<16384xf32, #tpu.memory_space<vmem>>, vector<16xf32>,
        %get3A_146 = vector.shape_cast %get3A_145 : vector<16xf32> to vector<16xf32>
        %neg3A_147 = arith.constant 0.000000e+00 : f32
        %neg3A_148 = vector.broadcast %neg3A_147 : f32 to vector<16xf32>
        %neg3A_149 = arith.subf %neg3A_148, %get3A_146 : vector<16xf32>
        %exp3A_150 = math.exp %neg3A_149 : vector<16xf32>
        %add3A_151 = arith.constant 1.000000e+00 : f32
        %add3A_152 = vector.broadcast %add3A_151 : f32 to vector<16xf32>
        %add3A_153 = arith.addf %add3A_152, %exp3A_150 : vector<16xf32>
        %div3A_154 = arith.constant 1.000000e+00 : f32
        %div3A_155 = vector.broadcast %div3A_154 : f32 to vector<16xf32>
        %div3A_156 = arith.divf %div3A_155, %add3A_153 : vector<16xf32>
        %add3A_157 = arith.addf %scan3A_61, %div3A_156 : vector<16xf32>
        %add3A_158 = arith.constant 96 : i32
        %add3A_159 = arith.addi %mul3A_65, %add3A_158 : i32
        %get3A_160 = arith.index_cast %add3A_159 : i32 to index
        %get3A_161 = tpu.vector_load %arg5[%get3A_160] {strides = array<i32>} : memref<16384xf32, #tpu.memory_space<vmem>>, vector<16xf32>,
        %get3A_162 = vector.shape_cast %get3A_161 : vector<16xf32> to vector<16xf32>
        %neg3A_163 = arith.constant 0.000000e+00 : f32
        %neg3A_164 = vector.broadcast %neg3A_163 : f32 to vector<16xf32>
        %neg3A_165 = arith.subf %neg3A_164, %get3A_162 : vector<16xf32>
        %exp3A_166 = math.exp %neg3A_165 : vector<16xf32>
        %add3A_167 = arith.constant 1.000000e+00 : f32
        %add3A_168 = vector.broadcast %add3A_167 : f32 to vector<16xf32>
        %add3A_169 = arith.addf %add3A_168, %exp3A_166 : vector<16xf32>
        %div3A_170 = arith.constant 1.000000e+00 : f32
        %div3A_171 = vector.broadcast %div3A_170 : f32 to vector<16xf32>
        %div3A_172 = arith.divf %div3A_171, %add3A_169 : vector<16xf32>
        %add3A_173 = arith.addf %scan3A_62, %div3A_172 : vector<16xf32>
        %add3A_174 = arith.constant 112 : i32
        %add3A_175 = arith.addi %mul3A_65, %add3A_174 : i32
        %get3A_176 = arith.index_cast %add3A_175 : i32 to index
        %get3A_177 = tpu.vector_load %arg5[%get3A_176] {strides = array<i32>} : memref<16384xf32, #tpu.memory_space<vmem>>, vector<16xf32>,
        %get3A_178 = vector.shape_cast %get3A_177 : vector<16xf32> to vector<16xf32>
        %neg3A_179 = arith.constant 0.000000e+00 : f32
        %neg3A_180 = vector.broadcast %neg3A_179 : f32 to vector<16xf32>
        %neg3A_181 = arith.subf %neg3A_180, %get3A_178 : vector<16xf32>
        %exp3A_182 = math.exp %neg3A_181 : vector<16xf32>
        %add3A_183 = arith.constant 1.000000e+00 : f32
        %add3A_184 = vector.broadcast %add3A_183 : f32 to vector<16xf32>
        %add3A_185 = arith.addf %add3A_184, %exp3A_182 : vector<16xf32>
        %div3A_186 = arith.constant 1.000000e+00 : f32
        %div3A_187 = vector.broadcast %div3A_186 : f32 to vector<16xf32>
        %div3A_188 = arith.divf %div3A_187, %add3A_185 : vector<16xf32>
        %add3A_189 = arith.addf %scan3A_63, %div3A_188 : vector<16xf32>
        scf.yield %add3A_77, %add3A_93, %add3A_109, %add3A_125, %add3A_141, %add3A_157, %add3A_173, %add3A_189 : vector<16xf32>, vector<16xf32>, vector<16xf32>, vector<16xf32>, vector<16xf32>, vector<16xf32>, vector<16xf32>, vector<16xf32>
      }
      %scan3A_49 = arith.constant 128 : i32
      %lt3A_50 = arith.constant 1 : i32
      %lt3A_51 = arith.cmpi slt, %scan3A_24, %lt3A_50 : i32
      %convert_element_type3A_52 = arith.extui %lt3A_51 : i1 to i32
      %cond3A_53 = arith.constant 0 : i32
      %cond3A_54 = arith.cmpi ne, %convert_element_type3A_52, %cond3A_53 : i32
      scf.if %cond3A_54 {
        %mul3A_55 = arith.constant 2 : i32
        %mul3A_56 = arith.muli %mul3A_55, %scan3A_24 : i32
        %add3A_57 = arith.constant 3 : i32
        %add3A_58 = arith.addi %mul3A_56, %add3A_57 : i32
        %mul3A_59 = arith.constant 16384 : i32
        %mul3A_60 = arith.muli %add3A_58, %mul3A_59 : i32
        %add3A_61 = arith.addi %mul3A_2, %mul3A_60 : i32
        %dma_start3A_62 = tpu.memref_slice %arg2[%add3A_61] : memref<2097152xf32, #tpu.memory_space<hbm>> -> memref<16384xf32, #tpu.memory_space<hbm>>
        %dma_start3A_63 = tpu.memref_slice %arg2[%add3A_61] : memref<2097152xf32, #tpu.memory_space<hbm>> -> memref<16384xf32, #tpu.memory_space<hbm>>
        tpu.enqueue_dma source(%dma_start3A_63 : memref<16384xf32, #tpu.memory_space<hbm>>) target(%arg5 : memref<16384xf32, #tpu.memory_space<vmem>>) target_semaphore(%arg8 : memref<!tpu.dma_semaphore, #tpu.memory_space<semaphore_mem>>)
      } else {
      }
      scf.yield %scan3A_48#0, %scan3A_48#1, %scan3A_48#2, %scan3A_48#3, %scan3A_48#4, %scan3A_48#5, %scan3A_48#6, %scan3A_48#7 : vector<16xf32>, vector<16xf32>, vector<16xf32>, vector<16xf32>, vector<16xf32>, vector<16xf32>, vector<16xf32>, vector<16xf32>
    }
    %scan3A_13 = arith.constant 2 : i32
    %add3A_14 = arith.addf %scan3A_12#0, %scan3A_12#1 : vector<16xf32>
    %add3A_15 = arith.addf %scan3A_12#2, %scan3A_12#3 : vector<16xf32>
    %add3A_16 = arith.addf %scan3A_12#4, %scan3A_12#5 : vector<16xf32>
    %add3A_17 = arith.addf %scan3A_12#6, %scan3A_12#7 : vector<16xf32>
    %add3A_18 = arith.addf %add3A_14, %add3A_15 : vector<16xf32>
    %add3A_19 = arith.addf %add3A_16, %add3A_17 : vector<16xf32>
    %add3A_20 = arith.addf %add3A_18, %add3A_19 : vector<16xf32>
    %swap3A = arith.constant 0 : index
    %swap3A_21 = tpu.vector_load %arg6[%swap3A] {strides = array<i32>} : memref<16xf32, #tpu.memory_space<vmem>>, vector<16xf32>,
    %swap3A_22 = vector.shape_cast %swap3A_21 : vector<16xf32> to vector<16xf32>
    %swap3A_23 = vector.shape_cast %add3A_20 : vector<16xf32> to vector<16xf32>
    tpu.vector_store %arg6[%swap3A], %swap3A_23 {strides = array<i32>} : memref<16xf32, #tpu.memory_space<vmem>>, vector<16xf32>,
    "tpu.region"() ({
      %run_scoped3A = tpu.sem_alloc : memref<!tpu.dma_semaphore, #tpu.memory_space<semaphore_mem>>
      %dma_start3A_24 = arith.constant 0 : i32
      %dma_start3A_25 = tpu.memref_slice %arg3[%add3A, %dma_start3A_24] : memref<32x16xf32, #tpu.memory_space<hbm>> -> memref<1x16xf32, #tpu.memory_space<hbm>>
      %dma_start3A_26 = tpu.memref_squeeze %dma_start3A_25 : memref<1x16xf32, #tpu.memory_space<hbm>> -> memref<16xf32, #tpu.memory_space<hbm>>
      %dma_start3A_27 = arith.constant 0 : i32
      %dma_start3A_28 = tpu.memref_slice %arg3[%add3A, %dma_start3A_27] : memref<32x16xf32, #tpu.memory_space<hbm>> -> memref<1x16xf32, #tpu.memory_space<hbm>>
      %dma_start3A_29 = tpu.memref_squeeze %dma_start3A_28 : memref<1x16xf32, #tpu.memory_space<hbm>> -> memref<16xf32, #tpu.memory_space<hbm>>
      tpu.enqueue_dma source(%arg6 : memref<16xf32, #tpu.memory_space<vmem>>) target(%dma_start3A_29 : memref<16xf32, #tpu.memory_space<hbm>>) target_semaphore(%run_scoped3A : memref<!tpu.dma_semaphore, #tpu.memory_space<semaphore_mem>>)
      %dma_wait3A = arith.constant 0 : i32
      %dma_wait3A_30 = tpu.memref_slice %arg3[%add3A, %dma_wait3A] : memref<32x16xf32, #tpu.memory_space<hbm>> -> memref<1x16xf32, #tpu.memory_space<hbm>>
      %dma_wait3A_31 = tpu.memref_squeeze %dma_wait3A_30 : memref<1x16xf32, #tpu.memory_space<hbm>> -> memref<16xf32, #tpu.memory_space<hbm>>
      %dma_wait3A_32 = arith.constant 0 : i32
      %dma_wait3A_33 = tpu.memref_slice %arg3[%add3A, %dma_wait3A_32] : memref<32x16xf32, #tpu.memory_space<hbm>> -> memref<1x16xf32, #tpu.memory_space<hbm>>
      %dma_wait3A_34 = tpu.memref_squeeze %dma_wait3A_33 : memref<1x16xf32, #tpu.memory_space<hbm>> -> memref<16xf32, #tpu.memory_space<hbm>>
      tpu.wait_dma2 semaphore(%run_scoped3A : memref<!tpu.dma_semaphore, #tpu.memory_space<semaphore_mem>>) src(%arg6 : memref<16xf32, #tpu.memory_space<vmem>>) dst(%dma_wait3A_34 : memref<16xf32, #tpu.memory_space<hbm>>)
      tpu.yield
    }) : () -> ()
    return
  }
}

</mosaic_0001>

<sc_bundles>
// kernel: kernel.3.cloned.1.call-start
scs
__scs_entry_jumppad:
0x0: {  	(pc) =	sbr.rel $0x88, $3  }
0x1: {  	(tag) =	ssettag $0x0;
	lr =	simm.s32 $0x1  }
0x2: {  	[smem:$0x3FA0] =	sst lr;
	_ =	strace $0xD0000000  }
0x3: {  	_ = 	snop  }
0x4: {  	_ = 	snop  }
0x5: {  	_ = 	snop  }
0x6: {  	_ = 	snop  }
0x7: {  	_ = 	snop  }
__scs_overlays_trampoline_lowered:
0x8: {  	[smem:$0x3FAF] =	sst s0  }
0x9: {  	[smem:$0x3FB0] =	sst s1  }
0xa: {  	[smem:$0x3FB1] =	sst s2  }
0xb: {  	[smem:$0x3FB2] =	sst s3  }
0xc: {  	[smem:$0x3FB3] =	sst s4  }
0xd: {  	[smem:$0x3FB4] =	sst s5  }
0xe: {  	[smem:$0x3FB5] =	sst s6  }
0xf: {  	[smem:$0x3FB6] =	sst s7  }
0x10: {  	[smem:$0x3FB7] =	sst s8  }
0x11: {  	[smem:$0x3FB8] =	sst s9;
	s0 =	simm.s32 @!p0 $0x0  }
0x12: {  	s1 =	sld [smem:$0x3F9E];
	s0 =	simm.s32 @p0 $0x1  }
0x13: {  	[smem:$0x3FB9] =	sst s0;
	s0 =	simm.s32 @!p1 $0x0  }
0x14: {  	s2 =	sld [smem:$0x3F9D];
	s0 =	simm.s32 @p1 $0x1  }
0x15: {  	[smem:$0x3FBA] =	sst s0;
	s0 =	simm.s32 @!p2 $0x0  }
0x16: {  	s3 =	sld [smem:$0x3FDB];
	s0 =	simm.s32 @p2 $0x1  }
0x17: {  	s4 =	simm.s32 $0x1BF5;
	[smem:$0x3FBC] =	sst s0  }
0x18: {  	s0 =	sld [smem:$0x3F9F];
	_ =	swait.ge [sflag:s4], $0x0  }
0x19: {  	s7 =	sld [smem:$0x3FA0]  }
0x1a: {  	s8 =	sadd.s32 $0xFFFFE003, lr  }
0x1b: {  	s9 =	sadd.s32 $0xFFFFFEF7, lr;
	s5 =	simm.s32 $0xFFFFFFFF;
	p2 =	slt.u32 s8, $0xFFFFF086  }
0x1c: {  	p1 =	slt.u32 s9, $0xF7A;
	s5 =	simm.s32 @!p2 $0x0  }
0x1d: {  	s5 =	simm.s32 @p1 $0x1;
	p0 =	seq.s32 s7, s2  }
0x1e: {  	s7 =	smul.u32 @!p0 $0xF7A, s2;
	p2 =	seq.s32 @!p0 s5, $0x0  }
0x1f: {  	s9 =	smul.u32 $0xF7A, s1;
	s8 =	simm.s32 @!p0 $0x1BF5;
	p2 =	por !p2, p0  }
0x20: {  	[sflag:s8] =	ssyncset.s32 @!p0 $0xFFFFF086;
	s6 =	sadd.s32 @!p0 s3, s7;
	s7 =	simm.s32 @!p0 $0x108  }
0x21: {  	s3 =	sadd.s32 s3, s9;
	s6 =	sadd.s32 @!p0 $0x88, s6;
	s7 =	simm.s32 @p2 $0x1082  }
0x22: {  	[simem:s7], [sflag:s8] =	dma.local @!p0 [hbm:s6], $0xF7A  }
0x23: {  	s9 =	sor.u32 $0xD0000000, s2;
	s6 =	simm.s32 $0x108;
	_ =	swait.ge @!p0 [sflag:s8], $0x0  }
0x24: {  	s3 =	sadd.s32 $0x88, s3;
	s6 =	simm.s32 @!p1 $0x1082;
	[sflag:s4] =	ssyncset.s32 $0xFFFFF086  }
0x25: {  	[simem:s6], [sflag:s4] =	dma.local [hbm:s3], $0xF7A  }
0x26: {  	[smem:$0x3FA0] =	sst s1;
	(tag) =	ssettag s2;
	_ =	strace s9  }
0x27: {  	s1 =	sld [smem:$0x3FB0]  }
0x28: {  	s2 =	sld [smem:$0x3FB1]  }
0x29: {  	s4 =	sld [smem:$0x3FB3]  }
0x2a: {  	p0 =	seq.s32 s5, $0x0;
	s5 =	sld [smem:$0x3FB4]  }
0x2b: {  	s6 =	sld [smem:$0x3FB5]  }
0x2c: {  	s7 =	sld [smem:$0x3FB6]  }
0x2d: {  	s3 =	simm.s32 $0x108;
	s8 =	sld [smem:$0x3FB7]  }
0x2e: {  	s3 =	simm.s32 @!p0 $0x1082;
	s9 =	sld [smem:$0x3FB8]  }
0x2f: {  	lr =	sadd.s32 s0, s3;
	s0 =	sld [smem:$0x3FAF]  }
0x30: {  	s3 =	sld [smem:$0x3FB2]  }
0x31: {  	[smem:$0x3FBB] =	sst s10  }
0x32: {  	s10 =	sld [smem:$0x3FB9];
	_ =	sdelay $0x3  }
0x33: {  	p0 =	seq.s32 s10, $0x1;
	s10 =	sld [smem:$0x3FBB];
	_ =	sdelay $0x3  }
0x34: {  	[smem:$0x3FBB] =	sst s10  }
0x35: {  	s10 =	sld [smem:$0x3FBA];
	_ =	sdelay $0x3  }
0x36: {  	p1 =	seq.s32 s10, $0x1;
	s10 =	sld [smem:$0x3FBB];
	_ =	sdelay $0x3  }
0x37: {  	[smem:$0x3FBB] =	sst s10  }
0x38: {  	s10 =	sld [smem:$0x3FBC]  }
0x39: {  	_ = 	snop;
	(pc) =	sbr.ind lr, $3  }
0x3a: {  	_ = 	snop  }
0x3b: {  	_ = 	snop  }
0x3c: {  	p2 =	seq.s32 s10, $0x1;
	s10 =	sld [smem:$0x3FBB]  }
0x3d: {  	_ =	shalt  }
0x3e: {  	_ =	shalt  }
0x3f: {  	_ =	shalt  }
0x40: {  	_ =	shalt  }
0x41: {  	_ =	shalt  }
0x42: {  	_ =	shalt  }
0x43: {  	_ =	shalt  }
0x44: {  	_ =	shalt  }
0x45: {  	_ =	shalt  }
0x46: {  	_ =	shalt  }
0x47: {  	_ =	shalt  }
0x48: {  	_ =	shalt  }
0x49: {  	_ =	shalt  }
0x4a: {  	_ =	shalt  }
0x4b: {  	_ =	shalt  }
0x4c: {  	_ =	shalt  }
0x4d: {  	_ =	shalt  }
0x4e: {  	_ =	shalt  }
0x4f: {  	_ =	shalt  }
0x50: {  	_ =	shalt  }
0x51: {  	_ =	shalt  }
0x52: {  	_ =	shalt  }
0x53: {  	_ =	shalt  }
0x54: {  	_ =	shalt  }
0x55: {  	_ =	shalt  }
0x56: {  	_ =	shalt  }
0x57: {  	_ =	shalt  }
0x58: {  	_ =	shalt  }
0x59: {  	_ =	shalt  }
0x5a: {  	_ =	shalt  }
0x5b: {  	_ =	shalt  }
0x5c: {  	_ =	shalt  }
0x5d: {  	_ =	shalt  }
0x5e: {  	_ =	shalt  }
0x5f: {  	_ =	shalt  }
0x60: {  	_ =	shalt  }
0x61: {  	_ =	shalt  }
0x62: {  	_ =	shalt  }
0x63: {  	_ =	shalt  }
0x64: {  	_ =	shalt  }
0x65: {  	_ =	shalt  }
0x66: {  	_ =	shalt  }
0x67: {  	_ =	shalt  }
0x68: {  	_ =	shalt  }
0x69: {  	_ =	shalt  }
0x6a: {  	_ =	shalt  }
0x6b: {  	_ =	shalt  }
0x6c: {  	_ =	shalt  }
0x6d: {  	_ =	shalt  }
0x6e: {  	_ =	shalt  }
0x6f: {  	_ =	shalt  }
0x70: {  	_ =	shalt  }
0x71: {  	_ =	shalt  }
0x72: {  	_ =	shalt  }
0x73: {  	_ =	shalt  }
0x74: {  	_ =	shalt  }
0x75: {  	_ =	shalt  }
0x76: {  	_ =	shalt  }
0x77: {  	_ =	shalt  }
0x78: {  	_ =	shalt  }
0x79: {  	_ =	shalt  }
0x7a: {  	_ =	shalt  }
0x7b: {  	_ =	shalt  }
0x7c: {  	_ =	shalt  }
0x7d: {  	_ =	shalt  }
0x7e: {  	_ =	shalt  }
0x7f: {  	_ =	shalt  }
0x80: {  	_ =	shalt  }
0x81: {  	_ =	shalt  }
0x82: {  	_ =	shalt  }
0x83: {  	_ =	shalt  }
0x84: {  	_ =	shalt  }
0x85: {  	_ =	shalt  }
0x86: {  	_ =	shalt  }
0x87: {  	_ =	shalt  }
.Lfunc_end0:
.L_simem_size_0:
called_computation_lowered:
.L_overlay_start_0:
0x88: {  	s2 =	sld [smem:$0x3FD9]  }
0x89: {  	s3 =	sld [smem:$0x3FFE];
	_ =	sdelay $0x1  }
0x8a: {  	s1 =	srdreg.scid  }
0x8b: {  	s0 =	sand.u32 $0x1, s1  }
0x8c: {  	s17 =	sshll.u32 s0, $0xA;
	s2 =	sadd.s32 s3, s2  }
0x8d: {  	s2 =	sadd.s32 s2, s17  }
0x8e: {  	[smem:$0x3FC7] =	sst s2  }
0x8f: {  	_ = 	snop  }
0x90: {  	s2 =	sld [smem:$0x3FC9];
	(tm) =	ssettm $0x1  }
0x91: {  	s18 =	sld [smem:$0x3FFB];
	_ =	sdelay $0x3  }
0x92: {  	_ =	strace s18  }
0x93: {  	s3 =	sld [smem:$0x3FFC];
	_ =	sdelay $0x3  }
0x94: {  	_ =	strace s3  }
0x95: {  	s3 =	sld [smem:$0x3FFD];
	_ =	sdelay $0x3  }
0x96: {  	_ =	strace s3  }
0x97: {  	_ =	strace $0x8FFFFFFF  }
0x98: {  	s19 =	sld [smem:$0x3FDB];
	_ =	sdelay $0x1  }
0x99: {  	s4 =	simm.s32 $_scs_section_size  }
0x9a: {  	s5 =	simm.s32 $_size__tile_overlayer_lowered;
	s6 =	simm.s32 $_tile_overlayer_lowered  }
0x9b: {  	s22 =	simm.s32 $0x1BFF;
	s21 =	sshll.u32 s6, $0x1;
	s3 =	sadd.s32 s4, s19  }
0x9c: {  	s7 =	simm.s32 $0x0;
	s20 =	sshll.u32 s5, $0x1;
	s5 =	sadd.s32 s21, s3  }
0x9d: {  	[timem:s7], [sflag:s22] =	dma.local [hbm:s5], s20  }
0x9e: {  	_ =	swait.ge [sflag:s22], s20  }
0x9f: {  	s4 =	ssub.s32 $0x0, s20;
	[sflag:s22] =	ssyncset.done $0x0  }
0xa0: {  	[sflag:s22] =	ssyncadd.s32 s4;
	_ =	sdelay $0x1  }
0xa1: {  	s23 =	simm.s32 $0x1B8B  }
0xa2: {  	_ =	swait.ge [sflag:s23], $0x1  }
0xa3: {  	[sflag:s23] =	ssyncset.done $0x0  }
0xa4: {  	s25 =	simm.s32 $0x1B8E;
	s24 =	sld [smem:$0x3FFE];
	[sflag:s23] =	ssyncadd.s32 $0xFFFFFFFF  }
0xa5: {  	s26 =	simm.s32 $execute0_lowered;
	[smem:$0x3FD2] =	sst s25  }
0xa6: {  	s5 =	sshll.u32 s26, $0x1;
	_ =	strace $0x80000046;
	[dreg:$0x1] =	wrdreg $0xFFFFFFFF  }
0xa7: {  	s28 =	simm.s32 $_size_execute0_lowered;
	s3 =	sadd.s32 s3, s5;
	[dreg:$0x0] =	wrdreg $0x0  }
0xa8: {  	s5 =	sshll.u32 s28, $0x1;
	[dreg:$0x2] =	wrdreg s3  }
0xa9: {  	[dreg:$0x3] =	wrdreg s5  }
0xaa: {  	[dreg:$0x4] =	wrdreg $0xC0  }
0xab: {  	_ =	task [dreg:s7], $0x5FFFF  }
0xac: {  	[dreg:$0x1] =	wrdreg $0xFFFFFFFF  }
0xad: {  	[dreg:$0x0] =	wrdreg $0x60  }
0xae: {  	[dreg:$0x2] =	wrdreg s2  }
0xaf: {  	[dreg:$0x3] =	wrdreg s24  }
0xb0: {  	[dreg:$0x4] =	wrdreg $0x9  }
0xb1: {  	_ =	task.clear_ibuf [dreg:s7], $0x5FFFF;
	_ =	strace $0x90000046  }
0xb2: {  	s29 =	simm.s32 $0x9;
	_ =	strace $0x80000048  }
0xb3: {  	_ =	swait.ge [sflag:s29], $0x1  }
0xb4: {  	[sflag:s29] =	ssyncadd.s32 $0xFFFFFFFF  }
0xb5: {  	_ =	strace $0x90000048  }
0xb6: {  	_ =	sfence  }
0xb7: {  	s30 =	sld [smem:$0x0];
	_ =	sdelay $0x2  }
0xb8: {  	s31 =	sshll.u32 s1, $0xD;
	s1 =	sshrl.u32 s1, $0x2  }
0xb9: {  	s3 =	sand.u32 $0x4000, s31;
	s1 =	sadd.s32 s1, s30  }
0xba: {  	s0 =	sor.u32 s3, s0;
	s1 =	sshll.u32 s1, $0x11  }
0xbb: {  	s0 =	sor.u32 s1, s0  }
0xbc: {  	s0 =	sadd.s32 $0x8F2B, s0  }
0xbd: {  	[sflag:s0] =	ssyncadd.remote.s32 $0x1  }
0xbe: {  	_ =	sfence.sel $0xFFFF  }
0xbf: {  	[dreg:$0x0] =	wrdreg $0xFFFFFFFF;
	(pc) =	sbr.abs _section_cstart, $3  }
0xc0: {  	[dreg:$0x1] =	wrdreg $0xFFFFFFFF  }
0xc1: {  	_ =	task.clear_ibuf [dreg:s7], $0x2FFFF;
	_ =	strace $0x9FFFFFFF  }
0xc2: {  	(tm) =	ssettm $0x7FFFFFFF  }
0xc3: {  	_ =	shalt  }
tec
execute0_lowered:
.L_overlay_start_1:
0x0: {  	(tag) =	ssettag $0x1  }
0x1: {  	s3 =	rddreg [dreg:$0x0]  }
0x2: {  	s7 =	rddreg [dreg:$0x1];
	s2 =	srdreg.scid  }
0x3: {  	s1 =	stileid.u32;
	s0 =	rddreg [dreg:$0x2]  }
0x4: {  	s10 =	simm.s32 $0x1;
	s11 =	simm.s32 $0x2;
	s12 =	simm.s32 $0x8000  }
0x5: {  	s13 =	simm.s32 $0x3;
	s14 =	simm.s32 $0x0;
	s4 =	sand.u32 $0x1, s2  }
0x6: {  	s5 =	sshll.u32 s1, $0x1;
	s2 =	simm.s32 $0x0;
	s6 =	ssub.s32 $0x2, s4  }
.Ltmp0:
0x7: {  	s8 =	sor.u32 s4, s5;
	[smem:$0x7FF] =	sst s2;
	(pc) =	sbr.rel .LBB2_1-.Ltmp0, $4  }
0x8: {  	s31 =	sshrl.u32 s6, $0x1;
	s5 =	sshll.u32 s8, $0xD;
	_ =	strace $0x80000047  }
0x9: {  	s8 =	sshll.u32 s8, $0x4;
	s9 =	ssub.s32 s6, s31;
	s3 =	sadd.s32 s3, s5  }
0xa: {  	s7 =	sadd.s32 s7, s8;
	s4 =	sadd.s32 $0x800, s3;
	s5 =	sadd.s32 $0x1000, s3  }
0xb: {  	s6 =	sadd.s32 $0x1800, s3;
	s8 =	smax.u32 s9, $0x1;
	s9 =	simm.s32 $0x4000  }
.LBB2_8:
0xc: {  	v4 =	vadd.f32 v7, v4;
	v2 =	vadd.f32 v2, v3  }
0xd: {  	v62 =	vadd.f32 v6, v5;
	v0 =	vadd.f32 v0, v1;
	_ =	sdelay $0x1  }
0xe: {  	v63 =	vadd.f32 v2, v4;
	v0 =	vadd.f32 v0, v62;
	_ =	sdelay $0x1  }
0xf: {  	s14 =	sadd.s32 $0x1, s14;
	v0 =	vadd.f32 v0, v63  }
0x10: {  	p0 =	sne.s32 s14, s8  }
.Ltmp1:
0x11: {  	[tilespmem:$0x8000] =	vst v0;
	(pc) =	sbr.rel @!p0 .LBB2_9-.Ltmp1, $4  }
0x12: {  	[hbm4b:s7+s2] =	stream.linear.scatter [tilespmem:s12], [sflag:$0x3], $0x80, $0x38;
	[tilespmem:$0x8080] =	vst v63  }
0x13: {  	_ =	swait.ge [sflag:s13], $0x80  }
0x14: {  	[sflag:s13] =	ssyncset.done $0x0  }
0x15: {  	[sflag:s13] =	ssyncadd.s32 $0xFFFFFF80  }
.LBB2_1:
0x16: {  	v0 =	vimm.f32 $0.0e+00;
	v1 =	vimm.f32 $0.0e+00  }
0x17: {  	[tilespmem:s2], [sflag:$0x1] =	stream.linear.gather [hbm4b:s3+s2], $0x4000, $0x38;
	v6 =	vimm.f32 $0.0e+00;
	v5 =	vimm.f32 $0.0e+00;
	v2 =	vimm.f32 $0.0e+00;
	[tilespmem:$0x8080] =	vst v63  }
0x18: {  	p0 =	por $0x0, $0x0;
	s15 =	smov.u32 s4;
	v3 =	vimm.f32 $0.0e+00;
	v7 =	vimm.f32 $0.0e+00;
	v4 =	vimm.f32 $0.0e+00  }
.LBB2_2:
0x19: {  	s16 =	simm.s32 $0x0  }
0x1a: {  	[tilespmem:s9], [sflag:$0x2] =	stream.linear.gather [hbm4b:s15+s16], $0x4000, $0x38;
	[tilespmem:$0x8080] =	vst v63  }
0x1b: {  	_ =	swait.ge [sflag:s10], $0x4000  }
0x1c: {  	[sflag:s10] =	ssyncset.done $0x0  }
0x1d: {  	s29 =	simm.s32 $0x0;
	[sflag:s10] =	ssyncadd.s32 $0xFFFFC000  }
0x1e: {  	v8 =	vld [tilespmem:s29+$0x40]  }
0x1f: {  	v9 =	vld [tilespmem:s29+$0x0]  }
0x20: {  	v10 =	vld [tilespmem:s29+$0x50];
	_ =	sdelay $0x2  }
0x21: {  	v11 =	vld [tilespmem:s29+$0x70];
	v8 =	vsub.f32 $0.0e+00, v8  }
0x22: {  	v12 =	vld [tilespmem:s29+$0x60];
	v9 =	vsub.f32 $0.0e+00, v9  }
0x23: {  	v13 =	vld [tilespmem:s29+$0x10];
	v10 =	vsub.f32 $0.0e+00, v10;
	v8 =	vmul.f32 $1.442695020e+00, v8  }
0x24: {  	v9 =	vmul.f32 $1.442695020e+00, v9  }
0x25: {  	v10 =	vmul.f32 $1.442695020e+00, v10;
	(erf) = vpow2.f32 v8  }
0x26: {  	v11 =	vsub.f32 $0.0e+00, v11;
	v8 =	vld [tilespmem:s29+$0x30];
	(erf) = vpow2.f32 v9  }
0x27: {  	s30 =	simm.s32 $0x80;
	v9 =	vld [tilespmem:s29+$0x20];
	(erf) = vpow2.f32 v10;
	v10 =	vsub.f32 $0.0e+00, v12  }
0x28: {  	v14 =	vld [tilespmem:s30+$0x50];
	v11 =	vmul.f32 $1.442695020e+00, v11;
	v12 =	vsub.f32 $0.0e+00, v13  }
0x29: {  	v13 =	vld [tilespmem:s30+$0x40];
	v10 =	vmul.f32 $1.442695020e+00, v10  }
0x2a: {  	(erf) = vpow2.f32 v11;
	v11 =	vmul.f32 $1.442695020e+00, v12;
	v12 =	vld [tilespmem:s30+$0x0]  }
0x2b: {  	v8 =	vsub.f32 $0.0e+00, v8;
	(erf) = vpow2.f32 v10;
	v10 =	vld [tilespmem:s30+$0x70]  }
0x2c: {  	v9 =	vsub.f32 $0.0e+00, v9  }
0x2d: {  	v8 =	vmul.f32 $1.442695020e+00, v8;
	(erf) = vpow2.f32 v11  }
0x2e: {  	v18 =	vld [tilespmem:s30+$0x10];
	v14 =	vsub.f32 $0.0e+00, v14;
	v13 =	vsub.f32 $0.0e+00, v13;
	v9 =	vmul.f32 $1.442695020e+00, v9;
	v15 =	vpop (erf)  }
0x2f: {  	(erf) = vpow2.f32 v8;
	v8 =	vld [tilespmem:s30+$0x60];
	v12 =	vsub.f32 $0.0e+00, v12;
	v15 =	vadd.f32 $1.000000000e+00, v15;
	v16 =	vpop (erf)  }
0x30: {  	v11 =	vld [tilespmem:s30+$0x30];
	v13 =	vmul.f32 $1.442695020e+00, v13;
	(erf) = vpow2.f32 v9;
	v17 =	vpop (erf);
	v10 =	vsub.f32 $0.0e+00, v10  }
0x31: {  	v9 =	vld [tilespmem:s30+$0x20];
	v12 =	vmul.f32 $1.442695020e+00, v12;
	(erf) = vrcp.f32 v15;
	v15 =	vadd.f32 $1.000000000e+00, v17  }
0x32: {  	(erf) = vpow2.f32 v13;
	v13 =	vmul.f32 $1.442695020e+00, v14  }
0x33: {  	v14 =	vpop (erf);
	v10 =	vmul.f32 $1.442695020e+00, v10;
	(erf) = vrcp.f32 v15  }
0x34: {  	v8 =	vsub.f32 $0.0e+00, v8;
	v14 =	vadd.f32 $1.000000000e+00, v14;
	(erf) = vpow2.f32 v12  }
0x35: {  	s31 =	simm.s32 $0x100;
	v11 =	vsub.f32 $0.0e+00, v11;
	v15 =	vsub.f32 $0.0e+00, v18;
	v12 =	vpop (erf);
	(erf) = vpow2.f32 v13  }
0x36: {  	v19 =	vld [tilespmem:s31+$0x0];
	v9 =	vsub.f32 $0.0e+00, v9;
	v8 =	vmul.f32 $1.442695020e+00, v8;
	v13 =	vpop (erf);
	(erf) = vrcp.f32 v14  }
0x37: {  	v14 =	vmul.f32 $1.442695020e+00, v15;
	v15 =	vld [tilespmem:s31+$0x40];
	v13 =	vadd.f32 $1.000000000e+00, v13;
	(erf) = vpow2.f32 v10  }
0x38: {  	v17 =	vld [tilespmem:s31+$0x70];
	v11 =	vmul.f32 $1.442695020e+00, v11;
	v10 =	vpop (erf);
	(erf) = vpow2.f32 v8  }
0x39: {  	v18 =	vmul.f32 $1.442695020e+00, v9;
	v9 =	vld [tilespmem:s31+$0x50];
	v8 =	vadd.f32 $1.000000000e+00, v12;
	v12 =	vpop (erf);
	(erf) = vrcp.f32 v13  }
0x3a: {  	v20 =	vld [tilespmem:s31+$0x30];
	v13 =	vadd.f32 $1.000000000e+00, v16;
	v16 =	vpop (erf);
	(erf) = vpow2.f32 v14  }
0x3b: {  	v12 =	vadd.f32 $1.000000000e+00, v12;
	v5 =	vadd.f32 v16, v5;
	(erf) = vpow2.f32 v11;
	v16 =	vld [tilespmem:s31+$0x60]  }
0x3c: {  	v10 =	vadd.f32 $1.000000000e+00, v10;
	v14 =	vld [tilespmem:s31+$0x20];
	v11 =	vpop (erf);
	(erf) = vrcp.f32 v8;
	v8 =	vsub.f32 $0.0e+00, v15  }
0x3d: {  	v19 =	vsub.f32 $0.0e+00, v19;
	v21 =	vadd.f32 $1.000000000e+00, v11;
	v11 =	vpop (erf);
	(erf) = vrcp.f32 v12  }
0x3e: {  	v17 =	vsub.f32 $0.0e+00, v17;
	v15 =	vsub.f32 $0.0e+00, v9;
	v9 =	vpop (erf);
	(erf) = vrcp.f32 v10  }
0x3f: {  	v6 =	vadd.f32 v11, v6;
	v12 =	vpop (erf);
	v10 =	vsub.f32 $0.0e+00, v20;
	(erf) = vpow2.f32 v18  }
0x40: {  	v22 =	vld [tilespmem:s31+$0x10];
	v20 =	vmul.f32 $1.442695020e+00, v8;
	v8 =	vpop (erf);
	(erf) = vrcp.f32 v21;
	v18 =	vsub.f32 $0.0e+00, v16  }
0x41: {  	v11 =	vsub.f32 $0.0e+00, v14;
	v14 =	vpop (erf);
	(erf) = vrcp.f32 v13;
	v13 =	vmul.f32 $1.442695020e+00, v19  }
0x42: {  	v17 =	vmul.f32 $1.442695020e+00, v17;
	v63 =	vadd.f32 $1.000000000e+00, v12;
	v12 =	vpop (erf)  }
0x43: {  	v15 =	vmul.f32 $1.442695020e+00, v15;
	(erf) = vpow2.f32 v20;
	v19 =	vpop (erf)  }
0x44: {  	v16 =	vadd.f32 $1.000000000e+00, v14;
	v14 =	vmul.f32 $1.442695020e+00, v18;
	(erf) = vrcp.f32 v63;
	v18 =	vpop (erf)  }
0x45: {  	s15 =	simm.s32 $0x600;
	v7 =	vadd.f32 v19, v7;
	v19 =	vsub.f32 $0.0e+00, v22;
	(erf) = vpow2.f32 v13;
	v13 =	vpop (erf)  }
.LBB2_3:
0x46: {  	s16 =	sshra.s32 s15, $0x2;
	p1 =	sne.s32 s15, $0xFE00;
	s15 =	sadd.s32 $0x200, s15;
	(erf) = vpow2.f32 v15;
	v15 =	vadd.f32 $1.000000000e+00, v18;
	v0 =	vadd.f32 v8, v0;
	v8 =	vpop (erf)  }
0x47: {  	v18 =	vld [tilespmem:s16+$0x70];
	v19 =	vmul.f32 $1.442695020e+00, v19;
	(erf) = vrcp.f32 v16;
	v1 =	vadd.f32 v8, v1;
	v8 =	vpop (erf)  }
0x48: {  	v11 =	vmul.f32 $1.442695020e+00, v11;
	v12 =	vadd.f32 $1.000000000e+00, v12;
	v16 =	vld [tilespmem:s16+$0x40];
	(erf) = vpow2.f32 v17;
	v17 =	vpop (erf)  }
0x49: {  	v3 =	vadd.f32 v8, v3;
	v20 =	vld [tilespmem:s16+$0x50];
	(erf) = vpow2.f32 v14;
	v14 =	vadd.f32 $1.000000000e+00, v9;
	v9 =	vpop (erf)  }
0x4a: {  	v21 =	vmul.f32 $1.442695020e+00, v10;
	v2 =	vadd.f32 v17, v2;
	v8 =	vld [tilespmem:s16+$0x0];
	(erf) = vrcp.f32 v15;
	v15 =	vpop (erf)  }
0x4b: {  	v13 =	vadd.f32 $1.000000000e+00, v13;
	v17 =	vld [tilespmem:s16+$0x30];
	(erf) = vpow2.f32 v19;
	v5 =	vadd.f32 v15, v5;
	v15 =	vpop (erf)  }
0x4c: {  	v19 =	vld [tilespmem:s16+$0x20];
	(erf) = vpow2.f32 v21;
	v10 =	vpop (erf);
	v21 =	vadd.f32 $1.000000000e+00, v9;
	v4 =	vadd.f32 v15, v4  }
0x4d: {  	v23 =	vsub.f32 $0.0e+00, v18;
	v22 =	vld [tilespmem:s16+$0x60];
	v18 =	vadd.f32 $1.000000000e+00, v10;
	v10 =	vpop (erf);
	(erf) = vrcp.f32 v12  }
0x4e: {  	v12 =	vsub.f32 $0.0e+00, v16;
	v15 =	vsub.f32 $0.0e+00, v20;
	v9 =	vpop (erf);
	(erf) = vrcp.f32 v21  }
0x4f: {  	v6 =	vadd.f32 v10, v6;
	v16 =	vsub.f32 $0.0e+00, v8;
	v20 =	vpop (erf);
	(erf) = vrcp.f32 v13  }
0x50: {  	v24 =	vmul.f32 $1.442695020e+00, v12;
	v13 =	vld [tilespmem:s16+$0x10];
	v10 =	vsub.f32 $0.0e+00, v17;
	(erf) = vpow2.f32 v11;
	v8 =	vpop (erf)  }
.Ltmp2:
0x51: {  	v15 =	vmul.f32 $1.442695020e+00, v15;
	v11 =	vsub.f32 $0.0e+00, v19;
	(erf) = vrcp.f32 v18;
	v18 =	vpop (erf);
	(pc) =	sbr.rel @p1 .LBB2_3-.Ltmp2, $4  }
0x52: {  	v20 =	vadd.f32 $1.000000000e+00, v20;
	v19 =	vsub.f32 $0.0e+00, v22;
	v12 =	vpop (erf);
	(erf) = vrcp.f32 v14  }
0x53: {  	v21 =	vmul.f32 $1.442695020e+00, v16;
	v16 =	vadd.f32 $1.000000000e+00, v18;
	(erf) = vpow2.f32 v24;
	v17 =	vpop (erf)  }
0x54: {  	v14 =	vmul.f32 $1.442695020e+00, v19;
	v18 =	vpop (erf);
	(erf) = vrcp.f32 v20;
	v7 =	vadd.f32 v17, v7  }
0x55: {  	v17 =	vmul.f32 $1.442695020e+00, v23;
	v19 =	vsub.f32 $0.0e+00, v13;
	(erf) = vpow2.f32 v21;
	v13 =	vpop (erf)  }
0x56: {  	(erf) = vpow2.f32 v15;
	v15 =	vpop (erf);
	v18 =	vadd.f32 $1.000000000e+00, v18  }
0x57: {  	(erf) = vrcp.f32 v16;
	v16 =	vpop (erf);
	v19 =	vmul.f32 $1.442695020e+00, v19  }
0x58: {  	v10 =	vmul.f32 $1.442695020e+00, v10;
	(erf) = vpow2.f32 v17;
	v17 =	vpop (erf)  }
0x59: {  	(erf) = vpow2.f32 v14;
	v14 =	vpop (erf)  }
0x5a: {  	v12 =	vadd.f32 $1.000000000e+00, v12;
	(erf) = vrcp.f32 v18;
	v18 =	vpop (erf)  }
0x5b: {  	v14 =	vadd.f32 $1.000000000e+00, v14;
	(erf) = vpow2.f32 v19;
	v19 =	vpop (erf)  }
0x5c: {  	v11 =	vmul.f32 $1.442695020e+00, v11;
	(erf) = vpow2.f32 v10;
	v10 =	vpop (erf)  }
0x5d: {  	v13 =	vadd.f32 $1.000000000e+00, v13;
	v20 =	vpop (erf);
	(erf) = vrcp.f32 v12  }
0x5e: {  	v12 =	vpop (erf);
	(erf) = vrcp.f32 v14  }
0x5f: {  	v14 =	vpop (erf);
	(erf) = vrcp.f32 v13  }
0x60: {  	(erf) = vpow2.f32 v11;
	v11 =	vpop (erf)  }
0x61: {  	v13 =	vpop (erf)  }
0x62: {  	v21 =	vpop (erf)  }
0x63: {  	v22 =	vpop (erf)  }
0x64: {  	v10 =	vadd.f32 $1.000000000e+00, v10;
	v23 =	vpop (erf)  }
0x65: {  	v9 =	vadd.f32 $1.000000000e+00, v9;
	v24 =	vpop (erf)  }
0x66: {  	(erf) = vrcp.f32 v10;
	v10 =	vadd.f32 $1.000000000e+00, v14;
	v14 =	vpop (erf)  }
0x67: {  	(erf) = vrcp.f32 v9;
	v9 =	vadd.f32 $1.000000000e+00, v13;
	v13 =	vpop (erf)  }
0x68: {  	(erf) = vrcp.f32 v10;
	v10 =	vadd.f32 $1.000000000e+00, v23;
	v55 =	vpop (erf)  }
0x69: {  	(erf) = vrcp.f32 v9;
	v9 =	vadd.f32 $1.000000000e+00, v21;
	v56 =	vpop (erf)  }
0x6a: {  	(erf) = vrcp.f32 v10;
	v10 =	vadd.f32 $1.000000000e+00, v56  }
0x6b: {  	v57 =	vadd.f32 $1.000000000e+00, v24;
	(erf) = vrcp.f32 v9;
	v9 =	vadd.f32 $1.000000000e+00, v12  }
0x6c: {  	(erf) = vrcp.f32 v10  }
0x6d: {  	(erf) = vrcp.f32 v57  }
0x6e: {  	(erf) = vrcp.f32 v9  }
0x6f: {  	v9 =	vpop (erf)  }
0x70: {  	v10 =	vpop (erf)  }
0x71: {  	v12 =	vpop (erf)  }
0x72: {  	v58 =	vpop (erf)  }
0x73: {  	v59 =	vpop (erf)  }
0x74: {  	v25 =	vpop (erf)  }
0x75: {  	v26 =	vpop (erf)  }
0x76: {  	s15 =	simm.s32 @!p0 $0x0;
	v27 =	vpop (erf)  }
0x77: {  	[tilespmem:s15], [sflag:$0x1] =	stream.linear.gather @!p0 [hbm4b:s5+s15], $0x4000, $0x38;
	v28 =	vpop (erf);
	[tilespmem:$0x8080] =	vst v63  }
0x78: {  	_ =	swait.ge [sflag:s11], $0x4000  }
0x79: {  	[sflag:s11] =	ssyncset.done $0x0  }
0x7a: {  	s29 =	simm.s32 $0x0;
	[sflag:s11] =	ssyncadd.s32 $0xFFFFC000  }
0x7b: {  	v29 =	vld [tilespmem:s29+$0x4040]  }
0x7c: {  	v30 =	vld [tilespmem:s29+$0x4000]  }
0x7d: {  	v31 =	vld [tilespmem:s29+$0x4050]  }
0x7e: {  	v0 =	vadd.f32 v8, v0;
	v1 =	vadd.f32 v15, v1  }
0x7f: {  	v3 =	vadd.f32 v16, v3;
	v2 =	vadd.f32 v17, v2  }
0x80: {  	v5 =	vadd.f32 v18, v5;
	v8 =	vld [tilespmem:s29+$0x4070];
	v15 =	vsub.f32 $0.0e+00, v29  }
0x81: {  	v4 =	vadd.f32 v19, v4;
	v16 =	vsub.f32 $0.0e+00, v30  }
0x82: {  	v6 =	vadd.f32 v20, v6;
	v17 =	vld [tilespmem:s29+$0x4060];
	v18 =	vsub.f32 $0.0e+00, v31;
	v15 =	vmul.f32 $1.442695020e+00, v15  }
0x83: {  	v0 =	vadd.f32 v11, v0;
	v1 =	vadd.f32 v14, v1;
	v19 =	vld [tilespmem:s29+$0x4010];
	v16 =	vmul.f32 $1.442695020e+00, v16  }
0x84: {  	v3 =	vadd.f32 v13, v3;
	v14 =	vld [tilespmem:s29+$0x4030];
	v11 =	vmul.f32 $1.442695020e+00, v18;
	(erf) = vpow2.f32 v15  }
0x85: {  	s30 =	simm.s32 $0x80;
	v13 =	vadd.f32 v55, v2;
	v2 =	vld [tilespmem:s29+$0x4020];
	v8 =	vsub.f32 $0.0e+00, v8;
	(erf) = vpow2.f32 v16  }
0x86: {  	v6 =	vadd.f32 v12, v6;
	v12 =	vld [tilespmem:s30+$0x4000];
	(erf) = vpow2.f32 v11  }
0x87: {  	v5 =	vadd.f32 v9, v5;
	v9 =	vsub.f32 $0.0e+00, v17;
	v8 =	vmul.f32 $1.442695020e+00, v8  }
0x88: {  	v4 =	vadd.f32 v10, v4;
	v10 =	vsub.f32 $0.0e+00, v19;
	v11 =	vld [tilespmem:s30+$0x4040]  }
0x89: {  	v9 =	vmul.f32 $1.442695020e+00, v9;
	v15 =	vld [tilespmem:s30+$0x4050];
	(erf) = vpow2.f32 v8;
	v8 =	vsub.f32 $0.0e+00, v14  }
0x8a: {  	v10 =	vmul.f32 $1.442695020e+00, v10;
	v14 =	vsub.f32 $0.0e+00, v2  }
0x8b: {  	v12 =	vsub.f32 $0.0e+00, v12;
	(erf) = vpow2.f32 v9;
	v9 =	vld [tilespmem:s30+$0x4070];
	v8 =	vmul.f32 $1.442695020e+00, v8  }
0x8c: {  	v2 =	vadd.f32 v26, v3;
	(erf) = vpow2.f32 v10;
	v10 =	vmul.f32 $1.442695020e+00, v14;
	v14 =	vld [tilespmem:s30+$0x4030]  }
0x8d: {  	v3 =	vadd.f32 v27, v13;
	v11 =	vsub.f32 $0.0e+00, v11;
	(erf) = vpow2.f32 v8;
	v8 =	vld [tilespmem:s30+$0x4060];
	v16 =	vpop (erf)  }
0x8e: {  	v15 =	vsub.f32 $0.0e+00, v15;
	(erf) = vpow2.f32 v10;
	v10 =	vld [tilespmem:s30+$0x4020];
	v13 =	vadd.f32 $1.000000000e+00, v16;
	v16 =	vpop (erf)  }
0x8f: {  	v12 =	vmul.f32 $1.442695020e+00, v12;
	v11 =	vmul.f32 $1.442695020e+00, v11;
	v17 =	vpop (erf)  }
0x90: {  	v18 =	vld [tilespmem:s30+$0x4010];
	v9 =	vsub.f32 $0.0e+00, v9;
	(erf) = vrcp.f32 v13;
	v13 =	vadd.f32 $1.000000000e+00, v17  }
0x91: {  	(erf) = vpow2.f32 v11;
	v11 =	vsub.f32 $0.0e+00, v14;
	v14 =	vmul.f32 $1.442695020e+00, v15  }
0x92: {  	v9 =	vmul.f32 $1.442695020e+00, v9;
	v8 =	vsub.f32 $0.0e+00, v8;
	v15 =	vpop (erf);
	(erf) = vrcp.f32 v13  }
0x93: {  	v10 =	vsub.f32 $0.0e+00, v10;
	v13 =	vadd.f32 $1.000000000e+00, v15;
	(erf) = vpow2.f32 v12  }
0x94: {  	s31 =	simm.s32 $0x100;
	v8 =	vmul.f32 $1.442695020e+00, v8;
	v12 =	vpop (erf);
	(erf) = vpow2.f32 v14  }
0x95: {  	v19 =	vld [tilespmem:s31+$0x4000];
	v15 =	vsub.f32 $0.0e+00, v18;
	v18 =	vmul.f32 $1.442695020e+00, v10;
	v14 =	vpop (erf);
	(erf) = vrcp.f32 v13  }
0x96: {  	v17 =	vld [tilespmem:s31+$0x4070];
	v11 =	vmul.f32 $1.442695020e+00, v11;
	v13 =	vadd.f32 $1.000000000e+00, v14;
	(erf) = vpow2.f32 v9  }
0x97: {  	v7 =	vadd.f32 v22, v7;
	v10 =	vld [tilespmem:s31+$0x4050];
	v14 =	vmul.f32 $1.442695020e+00, v15;
	v9 =	vpop (erf);
	(erf) = vpow2.f32 v8  }
0x98: {  	v0 =	vadd.f32 v58, v0;
	v15 =	vld [tilespmem:s31+$0x4040];
	v8 =	vadd.f32 $1.000000000e+00, v12;
	v12 =	vpop (erf);
	(erf) = vrcp.f32 v13  }
0x99: {  	v7 =	vadd.f32 v59, v7;
	v20 =	vld [tilespmem:s31+$0x4030];
	v13 =	vadd.f32 $1.000000000e+00, v16;
	v16 =	vpop (erf);
	(erf) = vpow2.f32 v14  }
0x9a: {  	v12 =	vadd.f32 $1.000000000e+00, v12;
	v5 =	vadd.f32 v16, v5;
	(erf) = vpow2.f32 v11;
	v16 =	vld [tilespmem:s31+$0x4060]  }
0x9b: {  	v19 =	vsub.f32 $0.0e+00, v19;
	v9 =	vadd.f32 $1.000000000e+00, v9;
	v14 =	vld [tilespmem:s31+$0x4020];
	v11 =	vpop (erf);
	(erf) = vrcp.f32 v8  }
0x9c: {  	v17 =	vsub.f32 $0.0e+00, v17;
	v60 =	vadd.f32 $1.000000000e+00, v11;
	v11 =	vpop (erf);
	(erf) = vrcp.f32 v12  }
0x9d: {  	v61 =	vsub.f32 $0.0e+00, v10;
	v15 =	vsub.f32 $0.0e+00, v15;
	v8 =	vpop (erf);
	(erf) = vrcp.f32 v9  }
0x9e: {  	v10 =	vsub.f32 $0.0e+00, v20;
	v6 =	vadd.f32 v11, v6;
	v12 =	vpop (erf);
	(erf) = vpow2.f32 v18  }
0x9f: {  	v62 =	vld [tilespmem:s31+$0x4010];
	v20 =	vmul.f32 $1.442695020e+00, v15;
	v9 =	vpop (erf);
	(erf) = vrcp.f32 v60;
	v18 =	vsub.f32 $0.0e+00, v16  }
0xa0: {  	v11 =	vsub.f32 $0.0e+00, v14;
	v14 =	vpop (erf);
	(erf) = vrcp.f32 v13;
	v13 =	vmul.f32 $1.442695020e+00, v19  }
0xa1: {  	v1 =	vadd.f32 v25, v1;
	v17 =	vmul.f32 $1.442695020e+00, v17;
	v63 =	vadd.f32 $1.000000000e+00, v12;
	v12 =	vpop (erf)  }
0xa2: {  	v4 =	vadd.f32 v28, v4;
	v15 =	vmul.f32 $1.442695020e+00, v61;
	(erf) = vpow2.f32 v20;
	v19 =	vpop (erf)  }
0xa3: {  	v16 =	vadd.f32 $1.000000000e+00, v14;
	v14 =	vmul.f32 $1.442695020e+00, v18;
	(erf) = vrcp.f32 v63;
	v18 =	vpop (erf)  }
0xa4: {  	s15 =	simm.s32 $0x600;
	v7 =	vadd.f32 v19, v7;
	v19 =	vsub.f32 $0.0e+00, v62;
	(erf) = vpow2.f32 v13;
	v13 =	vpop (erf)  }
.LBB2_5:
0xa5: {  	s16 =	sshra.s32 s15, $0x2;
	p1 =	sne.s32 s15, $0xFE00;
	s15 =	sadd.s32 $0x200, s15;
	(erf) = vpow2.f32 v15;
	v15 =	vadd.f32 $1.000000000e+00, v18;
	v0 =	vadd.f32 v9, v0;
	v9 =	vpop (erf)  }
0xa6: {  	v18 =	vld [tilespmem:s16+$0x4070];
	v19 =	vmul.f32 $1.442695020e+00, v19;
	(erf) = vrcp.f32 v16;
	v1 =	vadd.f32 v9, v1;
	v9 =	vpop (erf)  }
0xa7: {  	v11 =	vmul.f32 $1.442695020e+00, v11;
	v12 =	vadd.f32 $1.000000000e+00, v12;
	v16 =	vld [tilespmem:s16+$0x4040];
	(erf) = vpow2.f32 v17;
	v17 =	vpop (erf)  }
0xa8: {  	v2 =	vadd.f32 v9, v2;
	v20 =	vld [tilespmem:s16+$0x4050];
	(erf) = vpow2.f32 v14;
	v14 =	vadd.f32 $1.000000000e+00, v8;
	v8 =	vpop (erf)  }
0xa9: {  	v21 =	vmul.f32 $1.442695020e+00, v10;
	v3 =	vadd.f32 v17, v3;
	v9 =	vld [tilespmem:s16+$0x4000];
	(erf) = vrcp.f32 v15;
	v15 =	vpop (erf)  }
0xaa: {  	v13 =	vadd.f32 $1.000000000e+00, v13;
	v17 =	vld [tilespmem:s16+$0x4030];
	(erf) = vpow2.f32 v19;
	v5 =	vadd.f32 v15, v5;
	v15 =	vpop (erf)  }
0xab: {  	v19 =	vld [tilespmem:s16+$0x4020];
	(erf) = vpow2.f32 v21;
	v10 =	vpop (erf);
	v21 =	vadd.f32 $1.000000000e+00, v8;
	v4 =	vadd.f32 v15, v4  }
0xac: {  	v23 =	vsub.f32 $0.0e+00, v18;
	v22 =	vld [tilespmem:s16+$0x4060];
	v18 =	vadd.f32 $1.000000000e+00, v10;
	v10 =	vpop (erf);
	(erf) = vrcp.f32 v12  }
0xad: {  	v12 =	vsub.f32 $0.0e+00, v16;
	v15 =	vsub.f32 $0.0e+00, v20;
	v8 =	vpop (erf);
	(erf) = vrcp.f32 v21  }
0xae: {  	v6 =	vadd.f32 v10, v6;
	v16 =	vsub.f32 $0.0e+00, v9;
	v20 =	vpop (erf);
	(erf) = vrcp.f32 v13  }
0xaf: {  	v24 =	vmul.f32 $1.442695020e+00, v12;
	v13 =	vld [tilespmem:s16+$0x4010];
	v10 =	vsub.f32 $0.0e+00, v17;
	(erf) = vpow2.f32 v11;
	v9 =	vpop (erf)  }
.Ltmp3:
0xb0: {  	v15 =	vmul.f32 $1.442695020e+00, v15;
	v11 =	vsub.f32 $0.0e+00, v19;
	(erf) = vrcp.f32 v18;
	v18 =	vpop (erf);
	(pc) =	sbr.rel @p1 .LBB2_5-.Ltmp3, $4  }
0xb1: {  	v20 =	vadd.f32 $1.000000000e+00, v20;
	v19 =	vsub.f32 $0.0e+00, v22;
	v12 =	vpop (erf);
	(erf) = vrcp.f32 v14  }
0xb2: {  	v21 =	vmul.f32 $1.442695020e+00, v16;
	v16 =	vadd.f32 $1.000000000e+00, v18;
	(erf) = vpow2.f32 v24;
	v17 =	vpop (erf)  }
0xb3: {  	v14 =	vmul.f32 $1.442695020e+00, v19;
	v18 =	vpop (erf);
	(erf) = vrcp.f32 v20;
	v7 =	vadd.f32 v17, v7  }
0xb4: {  	v17 =	vmul.f32 $1.442695020e+00, v23;
	v19 =	vsub.f32 $0.0e+00, v13;
	(erf) = vpow2.f32 v21;
	v13 =	vpop (erf)  }
0xb5: {  	(erf) = vpow2.f32 v15;
	v39 =	vpop (erf)  }
0xb6: {  	(erf) = vrcp.f32 v16;
	v40 =	vpop (erf)  }
0xb7: {  	v18 =	vadd.f32 $1.000000000e+00, v18;
	(erf) = vpow2.f32 v17;
	v41 =	vpop (erf)  }
0xb8: {  	v19 =	vmul.f32 $1.442695020e+00, v19;
	(erf) = vpow2.f32 v14;
	v42 =	vpop (erf)  }
0xb9: {  	v10 =	vmul.f32 $1.442695020e+00, v10;
	(erf) = vrcp.f32 v18;
	v43 =	vpop (erf)  }
0xba: {  	v12 =	vadd.f32 $1.000000000e+00, v12;
	(erf) = vpow2.f32 v19;
	v44 =	vpop (erf)  }
0xbb: {  	v14 =	vadd.f32 $1.000000000e+00, v42;
	(erf) = vpow2.f32 v10;
	v45 =	vpop (erf)  }
0xbc: {  	v13 =	vadd.f32 $1.000000000e+00, v13;
	v20 =	vpop (erf);
	(erf) = vrcp.f32 v12  }
0xbd: {  	v11 =	vmul.f32 $1.442695020e+00, v11;
	v46 =	vpop (erf);
	(erf) = vrcp.f32 v14  }
0xbe: {  	v47 =	vpop (erf);
	(erf) = vrcp.f32 v13  }
0xbf: {  	(erf) = vpow2.f32 v11;
	v48 =	vpop (erf)  }
0xc0: {  	v49 =	vpop (erf)  }
0xc1: {  	v21 =	vpop (erf)  }
0xc2: {  	v22 =	vpop (erf)  }
0xc3: {  	v10 =	vadd.f32 $1.000000000e+00, v45;
	v23 =	vpop (erf)  }
0xc4: {  	v8 =	vadd.f32 $1.000000000e+00, v8;
	v24 =	vpop (erf)  }
0xc5: {  	v50 =	vadd.f32 $1.000000000e+00, v47;
	(erf) = vrcp.f32 v10;
	v51 =	vpop (erf)  }
0xc6: {  	(erf) = vrcp.f32 v8;
	v8 =	vadd.f32 $1.000000000e+00, v49;
	v52 =	vpop (erf)  }
0xc7: {  	(erf) = vrcp.f32 v50;
	v53 =	vadd.f32 $1.000000000e+00, v23;
	v54 =	vpop (erf)  }
0xc8: {  	(erf) = vrcp.f32 v8;
	v8 =	vadd.f32 $1.000000000e+00, v21;
	v55 =	vpop (erf)  }
0xc9: {  	(erf) = vrcp.f32 v53;
	v56 =	vadd.f32 $1.000000000e+00, v55  }
0xca: {  	(erf) = vrcp.f32 v8;
	v8 =	vadd.f32 $1.000000000e+00, v24  }
0xcb: {  	v57 =	vadd.f32 $1.000000000e+00, v46;
	(erf) = vrcp.f32 v56  }
0xcc: {  	(erf) = vrcp.f32 v8  }
0xcd: {  	(erf) = vrcp.f32 v57  }
0xce: {  	v0 =	vadd.f32 v9, v0;
	v1 =	vadd.f32 v39, v1;
	v8 =	vpop (erf)  }
0xcf: {  	v2 =	vadd.f32 v40, v2;
	v3 =	vadd.f32 v41, v3;
	v58 =	vpop (erf)  }
0xd0: {  	v5 =	vadd.f32 v43, v5;
	v4 =	vadd.f32 v44, v4;
	v59 =	vpop (erf)  }
0xd1: {  	v6 =	vadd.f32 v20, v6;
	v0 =	vadd.f32 v48, v0;
	v60 =	vpop (erf)  }
0xd2: {  	v7 =	vadd.f32 v22, v7;
	v1 =	vadd.f32 v51, v1;
	v61 =	vpop (erf)  }
0xd3: {  	v2 =	vadd.f32 v52, v2;
	v62 =	vadd.f32 v54, v3;
	v3 =	vpop (erf)  }
.Ltmp4:
0xd4: {  	v5 =	vadd.f32 v8, v5;
	v4 =	vadd.f32 v58, v4;
	v8 =	vpop (erf);
	(pc) =	sbr.rel @p0 .LBB2_8-.Ltmp4, $4  }
0xd5: {  	v0 =	vadd.f32 v60, v0;
	v7 =	vadd.f32 v61, v7;
	v63 =	vpop (erf)  }
0xd6: {  	v1 =	vadd.f32 v3, v1;
	v3 =	vadd.f32 v8, v2;
	v8 =	vpop (erf)  }
0xd7: {  	v2 =	vadd.f32 v63, v62;
	v4 =	vadd.f32 v8, v4  }
0xd8: {  	v6 =	vadd.f32 v59, v6  }
.Ltmp5:
0xd9: {  	(pc) =	sbr.rel .LBB2_2-.Ltmp5, $2  }
0xda: {  	_ =	sdelay $0x2  }
0xdb: {  	p0 =	por $0x1, $0x1;
	s15 =	smov.u32 s6  }
.LBB2_9:
0xdc: {  	_ =	sfence.sel $0x180000  }
0xdd: {  	[bflag:$0x0] =	sbarrier.arrive $0xFFFF  }
0xde: {  	p0 =	sne.s32 s1, $0x0;
	_ =	strace $0x90000047  }
0xdf: {  	s0 =	sadd.s32 @!p0 $0x100000, s0;
	[bflag:$0x2] =	sbarrier.arrive $0xFFFF  }
0xe0: {  	[sflag:s0] =	ssyncadd.tile.s32 @!p0 $0x1;
	_ =	shalt  }
.Lfunc_end2:
_tile_overlayer_lowered:
.L_overlay_start_2:
0xe1: {  	(tag) =	ssettag $0x2  }
0xe2: {  	s0 =	rddreg [dreg:$0x0];
	s2 =	stileid.u32  }
0xe3: {  	s1 =	rddreg [dreg:$0x1];
	p0 =	sne.s32 s2, $0x0  }
0xe4: {  	s3 =	rddreg [dreg:$0x2];
	[bflag:$0x3] =	sbarrier.arrive $0xFFFF;
	s2 =	simm.s32 @!p0 $0x1C03  }
0xe5: {  	[timem:s3], [sflag:s2] =	dma.local @!p0 [hbm:s0], s1  }
0xe6: {  	s0 =	simm.s32 @!p0 $0x3  }
0xe7: {  	_ =	swait.ge @!p0 [sflag:s0], s1  }
0xe8: {  	s1 =	ssub.s32 @!p0 $0x0, s1;
	[sflag:s0] =	ssyncset.done @!p0 $0x0  }
0xe9: {  	[sflag:s0] =	ssyncadd.s32 @!p0 s1  }
0xea: {  	[bflag:$0x3] =	sbarrier.arrive $0xFFFF  }
0xeb: {  	_ =	shalt  }

</sc_bundles>
